<compile_context>
chip_gen: v7x
topology: tpu7x:2x2x1
jax: 0.10.2.dev20260603
libtpu: 0.0.44.dev20260713+nightly
codegen_flags: <defaults>
</compile_context>

<pallas_src>
import functools

import jax
import jax.numpy as jnp
from jax import lax
from jax.experimental import pallas as pl
from jax.experimental.pallas import tpu as pltpu
from jax.experimental.pallas import tpu_sc as plsc

_B = 2
_C = 8
_NPIX = 1048576
_NPART = 2097152
_R = _B * _C

_NC = 2
_NS = 16
_NW = _NC * _NS
_PER_W = _NPART // _NW
_CHUNK = 2048
_NCHUNK = _PER_W // _CHUNK

_mesh = plsc.VectorSubcoreMesh(
    core_axis_name="c", subcore_axis_name="s", num_cores=_NC, num_subcores=_NS
)


@functools.partial(
    pl.kernel,
    out_type=jax.ShapeDtypeStruct((_NPART, _R), jnp.float32),
    mesh=_mesh,
    scratch_types=[
        pltpu.VMEM((_CHUNK,), jnp.int32),
        pltpu.VMEM((_CHUNK,), jnp.int32),
        pltpu.VMEM((_CHUNK, _R), jnp.float32),
        pltpu.VMEM((_CHUNK, _R), jnp.float32),
        pltpu.SemaphoreType.DMA,
        pltpu.SemaphoreType.DMA,
    ],
    compiler_params=pltpu.CompilerParams(
        use_tc_tiling_on_sc=False,
        needs_layout_passes=False,
        disable_bounds_checks=True,
    ),
)
def _sc_gather(table_hbm, idx_hbm, out_hbm, idx_a, idx_b, rows_a, rows_b,
               sem_a, sem_b):
    wid = lax.axis_index("s") * _NC + lax.axis_index("c")
    base = wid * _PER_W

    def fetch(k, idx_v, rows_v, sem):
        pltpu.sync_copy(idx_hbm.at[pl.ds(base + k * _CHUNK, _CHUNK)], idx_v)
        pltpu.async_copy(table_hbm.at[idx_v], rows_v, sem)

    def gather_wait(idx_v, rows_v, sem):
        pltpu.make_async_copy(table_hbm.at[idx_v], rows_v, sem).wait()

    def store(rows_v, off):
        pltpu.sync_copy(rows_v, out_hbm.at[pl.ds(off, _CHUNK), :])

    fetch(0, idx_a, rows_a, sem_a)

    def body(i, carry):
        k = 2 * i
        fetch(k + 1, idx_b, rows_b, sem_b)
        gather_wait(idx_a, rows_a, sem_a)
        store(rows_a, base + k * _CHUNK)

        @pl.when(i < _NCHUNK // 2 - 1)
        def _():
            fetch(k + 2, idx_a, rows_a, sem_a)

        gather_wait(idx_b, rows_b, sem_b)
        store(rows_b, base + (k + 1) * _CHUNK)
        return carry

    lax.fori_loop(0, _NCHUNK // 2, body, 0)


_BV = 8192
_BVd8 = _BV // 8


def _tc_table_body(x_ref, o_ref):
    x = x_ref[...]
    y = x.reshape(_R, _BV)
    z = jnp.concatenate(
        [y[:, j * _BVd8:(j + 1) * _BVd8] for j in range(8)], axis=0)
    o_ref[...] = z.T


_tc_table = pl.pallas_call(
    _tc_table_body,
    grid=(_NPIX // _BV,),
    in_specs=[pl.BlockSpec((_B, _C, _BV), lambda i: (0, 0, i))],
    out_specs=pl.BlockSpec((_BVd8, 128), lambda i: (i, 0)),
    out_shape=jax.ShapeDtypeStruct((_NPIX // 8, 128), jnp.float32),
)


_BM = 8192
_BP = _BM * 8


def _tc_transpose_body(x_ref, o_ref):
    x = x_ref[...]
    y = x.T
    for j in range(8):
        o_ref[:, :, j * _BM:(j + 1) * _BM] = (
            y[_R * j:_R * (j + 1), :].reshape(_B, _C, _BM))


_tc_transpose = pl.pallas_call(
    _tc_transpose_body,
    grid=(_NPART // _BP,),
    in_specs=[pl.BlockSpec((_BM, 128), lambda i: (i, 0))],
    out_specs=pl.BlockSpec((_B, _C, _BP), lambda i: (0, 0, i)),
    out_shape=jax.ShapeDtypeStruct((_B, _C, _NPART), jnp.float32),
)


def kernel(input_features, aprs, level_deltas):
    del level_deltas
    table = _tc_table(input_features).reshape(_NPIX, _R)
    g = ((aprs & ~(_BV - 1)) | ((aprs & (_BVd8 - 1)) << 3)
         | ((aprs >> 10) & 7))
    idxp = g.reshape(-1, 8, _BM).transpose(0, 2, 1).reshape(-1)
    rows = _sc_gather(table, idxp)
    return _tc_transpose(rows.reshape(_NPART // 8, 128))

# --- scband reference (transcript-rebuilt; emitter-appended) ---
"""Pipeline reference for scband-sample-particles-36653250904489 (READ-ONLY COPY).

The authoritative reference and input builder live on the scoring server;
editing this copy changes nothing except your own understanding.
"""

import jax, jax.numpy as jnp
import numpy as np

B = 2
C = 8
NPIX = 1048576
NPART = 2097152


def setup_inputs(seed: int = 0) -> dict:
    key = jax.random.key(seed)
    k1, k2 = jax.random.split(key)
    input_features = jax.random.normal(k1, (B, C, NPIX), dtype=jnp.float32)
    # APR access structure reduced to flat particle->voxel sample indices
    aprs = jax.random.randint(k2, (NPART,), 0, NPIX, dtype=jnp.int32)
    level_deltas = jnp.zeros((B,), dtype=jnp.int32)
    return {"input_features": input_features, "aprs": aprs, "level_deltas": level_deltas}


def reference(input_features, aprs, level_deltas):
    # sample_particles_forward: gather dense pixel features at each particle's
    # source voxel. level_deltas==0 means sampling at native APR levels, which
    # reduces to a pure gather along the flattened spatial axis.
    del level_deltas
    out = jnp.take(input_features, aprs, axis=2)
    return out

if __name__ == "__main__":
    import jax
    _d = setup_inputs()
    print(jax.jit(kernel)(*tuple(_d.values())))

</pallas_src>

<mosaic_0001>
#map = affine_map<(d0, d1) -> (0, 0)>
#map1 = affine_map<(d0, d1) -> (0)>
module attributes {stable_mosaic.version = 14 : i64} {
  func.func @_sc_gather(%arg0: i32, %arg1: i32, %arg2: memref<1048576x16xf32, #tpu.memory_space<hbm>>, %arg3: memref<2097152xi32, #tpu.memory_space<hbm>>, %arg4: memref<2097152x16xf32, #tpu.memory_space<hbm>>, %arg5: memref<2048xi32, #tpu.memory_space<vmem>>, %arg6: memref<2048xi32, #tpu.memory_space<vmem>>, %arg7: memref<2048x16xf32, #tpu.memory_space<vmem>>, %arg8: memref<2048x16xf32, #tpu.memory_space<vmem>>, %arg9: memref<!tpu.dma_semaphore, #tpu.memory_space<semaphore_mem>>, %arg10: memref<!tpu.dma_semaphore, #tpu.memory_space<semaphore_mem>>) attributes {dimension_semantics = [#tpu.dimension_semantics<core_parallel>, #tpu.dimension_semantics<subcore_parallel>], iteration_bounds = array<i64: 2, 16>, scalar_prefetch = 0 : i64, scratch_operands = 6 : i64, tpu.core_type = #tpu.core_type<sc_vector_subcore>, window_params = [{transform_indices = #map}, {transform_indices = #map1}, {transform_indices = #map}]} {
    %mul3A = arith.constant 2 : i32
    %mul3A_0 = arith.muli %arg1, %mul3A : i32
    %add3A = arith.addi %mul3A_0, %arg0 : i32
    %mul3A_1 = arith.constant 65536 : i32
    %mul3A_2 = arith.muli %add3A, %mul3A_1 : i32
    %add3A_3 = arith.constant 0 : i32
    %add3A_4 = arith.addi %mul3A_2, %add3A_3 : i32
    "tpu.region"() ({
      %run_scoped3A = tpu.sem_alloc : memref<!tpu.dma_semaphore, #tpu.memory_space<semaphore_mem>>
      %dma_start3A_12 = tpu.memref_slice %arg3[%add3A_4] : memref<2097152xi32, #tpu.memory_space<hbm>> -> memref<2048xi32, #tpu.memory_space<hbm>>
      %dma_start3A_13 = tpu.memref_slice %arg3[%add3A_4] : memref<2097152xi32, #tpu.memory_space<hbm>> -> memref<2048xi32, #tpu.memory_space<hbm>>
      tpu.enqueue_dma source(%dma_start3A_13 : memref<2048xi32, #tpu.memory_space<hbm>>) target(%arg5 : memref<2048xi32, #tpu.memory_space<vmem>>) target_semaphore(%run_scoped3A : memref<!tpu.dma_semaphore, #tpu.memory_space<semaphore_mem>>)
      %dma_wait3A = tpu.memref_slice %arg3[%add3A_4] : memref<2097152xi32, #tpu.memory_space<hbm>> -> memref<2048xi32, #tpu.memory_space<hbm>>
      %dma_wait3A_14 = tpu.memref_slice %arg3[%add3A_4] : memref<2097152xi32, #tpu.memory_space<hbm>> -> memref<2048xi32, #tpu.memory_space<hbm>>
      tpu.wait_dma2 semaphore(%run_scoped3A : memref<!tpu.dma_semaphore, #tpu.memory_space<semaphore_mem>>) src(%dma_wait3A_14 : memref<2048xi32, #tpu.memory_space<hbm>>) dst(%arg5 : memref<2048xi32, #tpu.memory_space<vmem>>)
      tpu.yield
    }) : () -> ()
    %dma_start3A = arith.constant 0 : i32
    %dma_start3A_5 = arith.constant 0 : i32
    %dma_start3A_6 = tpu.memref_slice %arg2[%dma_start3A, %dma_start3A_5] : memref<1048576x16xf32, #tpu.memory_space<hbm>> -> memref<1048576x16xf32, #tpu.memory_space<hbm>>
    tpu.enqueue_indirect_dma source(%dma_start3A_6 : memref<1048576x16xf32, #tpu.memory_space<hbm>>) target(%arg7 : memref<2048x16xf32, #tpu.memory_space<vmem>>) offsets(%arg5 : memref<2048xi32, #tpu.memory_space<vmem>>) semaphore(%arg9 : memref<!tpu.dma_semaphore, #tpu.memory_space<semaphore_mem>>)
    %scan3A = arith.constant 0 : i32
    %scan3A_7 = arith.constant 0 : i32
    %scan3A_8 = arith.constant 16 : i32
    %scan3A_9 = arith.addi %scan3A_7, %scan3A_8 : i32
    %scan3A_10 = arith.constant 1 : i32
    scf.for %scan3A_12 = %scan3A_7 to %scan3A_9 step %scan3A_10  : i32 {
      %mul3A_13 = arith.constant 2 : i32
      %mul3A_14 = arith.muli %mul3A_13, %scan3A_12 : i32
      %add3A_15 = arith.constant 1 : i32
      %add3A_16 = arith.addi %mul3A_14, %add3A_15 : i32
      %mul3A_17 = arith.constant 2048 : i32
      %mul3A_18 = arith.muli %add3A_16, %mul3A_17 : i32
      %add3A_19 = arith.addi %mul3A_2, %mul3A_18 : i32
      "tpu.region"() ({
        %run_scoped3A = tpu.sem_alloc : memref<!tpu.dma_semaphore, #tpu.memory_space<semaphore_mem>>
        %dma_start3A_38 = tpu.memref_slice %arg3[%add3A_19] : memref<2097152xi32, #tpu.memory_space<hbm>> -> memref<2048xi32, #tpu.memory_space<hbm>>
        %dma_start3A_39 = tpu.memref_slice %arg3[%add3A_19] : memref<2097152xi32, #tpu.memory_space<hbm>> -> memref<2048xi32, #tpu.memory_space<hbm>>
        tpu.enqueue_dma source(%dma_start3A_39 : memref<2048xi32, #tpu.memory_space<hbm>>) target(%arg6 : memref<2048xi32, #tpu.memory_space<vmem>>) target_semaphore(%run_scoped3A : memref<!tpu.dma_semaphore, #tpu.memory_space<semaphore_mem>>)
        %dma_wait3A_40 = tpu.memref_slice %arg3[%add3A_19] : memref<2097152xi32, #tpu.memory_space<hbm>> -> memref<2048xi32, #tpu.memory_space<hbm>>
        %dma_wait3A_41 = tpu.memref_slice %arg3[%add3A_19] : memref<2097152xi32, #tpu.memory_space<hbm>> -> memref<2048xi32, #tpu.memory_space<hbm>>
        tpu.wait_dma2 semaphore(%run_scoped3A : memref<!tpu.dma_semaphore, #tpu.memory_space<semaphore_mem>>) src(%dma_wait3A_41 : memref<2048xi32, #tpu.memory_space<hbm>>) dst(%arg6 : memref<2048xi32, #tpu.memory_space<vmem>>)
        tpu.yield
      }) : () -> ()
      %dma_start3A_20 = arith.constant 0 : i32
      %dma_start3A_21 = arith.constant 0 : i32
      %dma_start3A_22 = tpu.memref_slice %arg2[%dma_start3A_20, %dma_start3A_21] : memref<1048576x16xf32, #tpu.memory_space<hbm>> -> memref<1048576x16xf32, #tpu.memory_space<hbm>>
      tpu.enqueue_indirect_dma source(%dma_start3A_22 : memref<1048576x16xf32, #tpu.memory_space<hbm>>) target(%arg8 : memref<2048x16xf32, #tpu.memory_space<vmem>>) offsets(%arg6 : memref<2048xi32, #tpu.memory_space<vmem>>) semaphore(%arg10 : memref<!tpu.dma_semaphore, #tpu.memory_space<semaphore_mem>>)
      %dma_wait3A = arith.constant 0 : i32
      %dma_wait3A_23 = arith.constant 0 : i32
      %dma_wait3A_24 = tpu.memref_slice %arg2[%dma_wait3A, %dma_wait3A_23] : memref<1048576x16xf32, #tpu.memory_space<hbm>> -> memref<1048576x16xf32, #tpu.memory_space<hbm>>
      tpu.wait_indirect_dma semaphore(%arg9 : memref<!tpu.dma_semaphore, #tpu.memory_space<semaphore_mem>>) src(%dma_wait3A_24 : memref<1048576x16xf32, #tpu.memory_space<hbm>>) dst(%arg7 : memref<2048x16xf32, #tpu.memory_space<vmem>>)
      %mul3A_25 = arith.constant 2048 : i32
      %mul3A_26 = arith.muli %mul3A_14, %mul3A_25 : i32
      %add3A_27 = arith.addi %mul3A_2, %mul3A_26 : i32
      "tpu.region"() ({
        %run_scoped3A = tpu.sem_alloc : memref<!tpu.dma_semaphore, #tpu.memory_space<semaphore_mem>>
        %dma_start3A_38 = arith.constant 0 : i32
        %dma_start3A_39 = tpu.memref_slice %arg4[%add3A_27, %dma_start3A_38] : memref<2097152x16xf32, #tpu.memory_space<hbm>> -> memref<2048x16xf32, #tpu.memory_space<hbm>>
        %dma_start3A_40 = arith.constant 0 : i32
        %dma_start3A_41 = tpu.memref_slice %arg4[%add3A_27, %dma_start3A_40] : memref<2097152x16xf32, #tpu.memory_space<hbm>> -> memref<2048x16xf32, #tpu.memory_space<hbm>>
        tpu.enqueue_dma source(%arg7 : memref<2048x16xf32, #tpu.memory_space<vmem>>) target(%dma_start3A_41 : memref<2048x16xf32, #tpu.memory_space<hbm>>) target_semaphore(%run_scoped3A : memref<!tpu.dma_semaphore, #tpu.memory_space<semaphore_mem>>)
        %dma_wait3A_42 = arith.constant 0 : i32
        %dma_wait3A_43 = tpu.memref_slice %arg4[%add3A_27, %dma_wait3A_42] : memref<2097152x16xf32, #tpu.memory_space<hbm>> -> memref<2048x16xf32, #tpu.memory_space<hbm>>
        %dma_wait3A_44 = arith.constant 0 : i32
        %dma_wait3A_45 = tpu.memref_slice %arg4[%add3A_27, %dma_wait3A_44] : memref<2097152x16xf32, #tpu.memory_space<hbm>> -> memref<2048x16xf32, #tpu.memory_space<hbm>>
        tpu.wait_dma2 semaphore(%run_scoped3A : memref<!tpu.dma_semaphore, #tpu.memory_space<semaphore_mem>>) src(%arg7 : memref<2048x16xf32, #tpu.memory_space<vmem>>) dst(%dma_wait3A_45 : memref<2048x16xf32, #tpu.memory_space<hbm>>)
        tpu.yield
      }) : () -> ()
      %lt3A = arith.constant 15 : i32
      %lt3A_28 = arith.cmpi slt, %scan3A_12, %lt3A : i32
      %convert_element_type3A = arith.extui %lt3A_28 : i1 to i32
      %cond3A = arith.constant 0 : i32
      %cond3A_29 = arith.cmpi ne, %convert_element_type3A, %cond3A : i32
      scf.if %cond3A_29 {
        %add3A_38 = arith.constant 2 : i32
        %add3A_39 = arith.addi %mul3A_14, %add3A_38 : i32
        %mul3A_40 = arith.constant 2048 : i32
        %mul3A_41 = arith.muli %add3A_39, %mul3A_40 : i32
        %add3A_42 = arith.addi %mul3A_2, %mul3A_41 : i32
        "tpu.region"() ({
          %run_scoped3A = tpu.sem_alloc : memref<!tpu.dma_semaphore, #tpu.memory_space<semaphore_mem>>
          %dma_start3A_46 = tpu.memref_slice %arg3[%add3A_42] : memref<2097152xi32, #tpu.memory_space<hbm>> -> memref<2048xi32, #tpu.memory_space<hbm>>
          %dma_start3A_47 = tpu.memref_slice %arg3[%add3A_42] : memref<2097152xi32, #tpu.memory_space<hbm>> -> memref<2048xi32, #tpu.memory_space<hbm>>
          tpu.enqueue_dma source(%dma_start3A_47 : memref<2048xi32, #tpu.memory_space<hbm>>) target(%arg5 : memref<2048xi32, #tpu.memory_space<vmem>>) target_semaphore(%run_scoped3A : memref<!tpu.dma_semaphore, #tpu.memory_space<semaphore_mem>>)
          %dma_wait3A_48 = tpu.memref_slice %arg3[%add3A_42] : memref<2097152xi32, #tpu.memory_space<hbm>> -> memref<2048xi32, #tpu.memory_space<hbm>>
          %dma_wait3A_49 = tpu.memref_slice %arg3[%add3A_42] : memref<2097152xi32, #tpu.memory_space<hbm>> -> memref<2048xi32, #tpu.memory_space<hbm>>
          tpu.wait_dma2 semaphore(%run_scoped3A : memref<!tpu.dma_semaphore, #tpu.memory_space<semaphore_mem>>) src(%dma_wait3A_49 : memref<2048xi32, #tpu.memory_space<hbm>>) dst(%arg5 : memref<2048xi32, #tpu.memory_space<vmem>>)
          tpu.yield
        }) : () -> ()
        %dma_start3A_43 = arith.constant 0 : i32
        %dma_start3A_44 = arith.constant 0 : i32
        %dma_start3A_45 = tpu.memref_slice %arg2[%dma_start3A_43, %dma_start3A_44] : memref<1048576x16xf32, #tpu.memory_space<hbm>> -> memref<1048576x16xf32, #tpu.memory_space<hbm>>
        tpu.enqueue_indirect_dma source(%dma_start3A_45 : memref<1048576x16xf32, #tpu.memory_space<hbm>>) target(%arg7 : memref<2048x16xf32, #tpu.memory_space<vmem>>) offsets(%arg5 : memref<2048xi32, #tpu.memory_space<vmem>>) semaphore(%arg9 : memref<!tpu.dma_semaphore, #tpu.memory_space<semaphore_mem>>)
      } else {
      }
      %dma_wait3A_30 = arith.constant 0 : i32
      %dma_wait3A_31 = arith.constant 0 : i32
      %dma_wait3A_32 = tpu.memref_slice %arg2[%dma_wait3A_30, %dma_wait3A_31] : memref<1048576x16xf32, #tpu.memory_space<hbm>> -> memref<1048576x16xf32, #tpu.memory_space<hbm>>
      tpu.wait_indirect_dma semaphore(%arg10 : memref<!tpu.dma_semaphore, #tpu.memory_space<semaphore_mem>>) src(%dma_wait3A_32 : memref<1048576x16xf32, #tpu.memory_space<hbm>>) dst(%arg8 : memref<2048x16xf32, #tpu.memory_space<vmem>>)
      %add3A_33 = arith.constant 1 : i32
      %add3A_34 = arith.addi %mul3A_14, %add3A_33 : i32
      %mul3A_35 = arith.constant 2048 : i32
      %mul3A_36 = arith.muli %add3A_34, %mul3A_35 : i32
      %add3A_37 = arith.addi %mul3A_2, %mul3A_36 : i32
      "tpu.region"() ({
        %run_scoped3A = tpu.sem_alloc : memref<!tpu.dma_semaphore, #tpu.memory_space<semaphore_mem>>
        %dma_start3A_38 = arith.constant 0 : i32
        %dma_start3A_39 = tpu.memref_slice %arg4[%add3A_37, %dma_start3A_38] : memref<2097152x16xf32, #tpu.memory_space<hbm>> -> memref<2048x16xf32, #tpu.memory_space<hbm>>
        %dma_start3A_40 = arith.constant 0 : i32
        %dma_start3A_41 = tpu.memref_slice %arg4[%add3A_37, %dma_start3A_40] : memref<2097152x16xf32, #tpu.memory_space<hbm>> -> memref<2048x16xf32, #tpu.memory_space<hbm>>
        tpu.enqueue_dma source(%arg8 : memref<2048x16xf32, #tpu.memory_space<vmem>>) target(%dma_start3A_41 : memref<2048x16xf32, #tpu.memory_space<hbm>>) target_semaphore(%run_scoped3A : memref<!tpu.dma_semaphore, #tpu.memory_space<semaphore_mem>>)
        %dma_wait3A_42 = arith.constant 0 : i32
        %dma_wait3A_43 = tpu.memref_slice %arg4[%add3A_37, %dma_wait3A_42] : memref<2097152x16xf32, #tpu.memory_space<hbm>> -> memref<2048x16xf32, #tpu.memory_space<hbm>>
        %dma_wait3A_44 = arith.constant 0 : i32
        %dma_wait3A_45 = tpu.memref_slice %arg4[%add3A_37, %dma_wait3A_44] : memref<2097152x16xf32, #tpu.memory_space<hbm>> -> memref<2048x16xf32, #tpu.memory_space<hbm>>
        tpu.wait_dma2 semaphore(%run_scoped3A : memref<!tpu.dma_semaphore, #tpu.memory_space<semaphore_mem>>) src(%arg8 : memref<2048x16xf32, #tpu.memory_space<vmem>>) dst(%dma_wait3A_45 : memref<2048x16xf32, #tpu.memory_space<hbm>>)
        tpu.yield
      }) : () -> ()
    }
    %scan3A_11 = arith.constant 16 : i32
    return
  }
}

module attributes {stable_mosaic.version = 14 : i64} {
  func.func @_tc_table_body(%arg0: i32, %arg1: memref<2x8x8192xf32, #tpu.memory_space<vmem>>, %arg2: memref<1024x128xf32, #tpu.memory_space<vmem>>) attributes {dimension_semantics = [#tpu.dimension_semantics<arbitrary>], iteration_bounds = array<i64: 128>, scalar_prefetch = 0 : i64, scratch_operands = 0 : i64, tpu.core_type = #tpu.core_type<tc>, window_params = [{transform_indices = @transform_0, window_bounds = array<i64: 2, 8, 8192>}, {transform_indices = @transform_1, window_bounds = array<i64: 1024, 128>}]} {
    %get3A = arith.constant 0 : index
    %get3A_0 = arith.constant 0 : index
    %get3A_1 = arith.constant 0 : index
    %get3A_2 = vector.load %arg1[%get3A, %get3A_0, %get3A_1] : memref<2x8x8192xf32, #tpu.memory_space<vmem>>, vector<2x8x8192xf32>
    %reshape3A = vector.shape_cast %get3A_2 : vector<2x8x8192xf32> to vector<16x8192xf32>
    %slice3A = vector.extract_strided_slice %reshape3A {offsets = [0, 0], sizes = [16, 1024], strides = [1, 1]} : vector<16x8192xf32> to vector<16x1024xf32>
    %slice3A_3 = vector.extract_strided_slice %reshape3A {offsets = [0, 1024], sizes = [16, 1024], strides = [1, 1]} : vector<16x8192xf32> to vector<16x1024xf32>
    %slice3A_4 = vector.extract_strided_slice %reshape3A {offsets = [0, 2048], sizes = [16, 1024], strides = [1, 1]} : vector<16x8192xf32> to vector<16x1024xf32>
    %slice3A_5 = vector.extract_strided_slice %reshape3A {offsets = [0, 3072], sizes = [16, 1024], strides = [1, 1]} : vector<16x8192xf32> to vector<16x1024xf32>
    %slice3A_6 = vector.extract_strided_slice %reshape3A {offsets = [0, 4096], sizes = [16, 1024], strides = [1, 1]} : vector<16x8192xf32> to vector<16x1024xf32>
    %slice3A_7 = vector.extract_strided_slice %reshape3A {offsets = [0, 5120], sizes = [16, 1024], strides = [1, 1]} : vector<16x8192xf32> to vector<16x1024xf32>
    %slice3A_8 = vector.extract_strided_slice %reshape3A {offsets = [0, 6144], sizes = [16, 1024], strides = [1, 1]} : vector<16x8192xf32> to vector<16x1024xf32>
    %slice3A_9 = vector.extract_strided_slice %reshape3A {offsets = [0, 7168], sizes = [16, 1024], strides = [1, 1]} : vector<16x8192xf32> to vector<16x1024xf32>
    %concatenate3A = tpu.concatenate %slice3A, %slice3A_3, %slice3A_4, %slice3A_5, %slice3A_6, %slice3A_7, %slice3A_8, %slice3A_9 in 0 : vector<16x1024xf32>, vector<16x1024xf32>, vector<16x1024xf32>, vector<16x1024xf32>, vector<16x1024xf32>, vector<16x1024xf32>, vector<16x1024xf32>, vector<16x1024xf32> -> vector<128x1024xf32>
    %transpose3A = tpu.transpose %concatenate3A, [1, 0] : vector<128x1024xf32> -> vector<1024x128xf32>
    %swap3A = arith.constant 0 : index
    %swap3A_10 = arith.constant 0 : index
    %swap3A_11 = vector.load %arg2[%swap3A, %swap3A_10] : memref<1024x128xf32, #tpu.memory_space<vmem>>, vector<1024x128xf32>
    tpu.vector_store %arg2[%swap3A, %swap3A_10], %transpose3A {strides = array<i32>} : memref<1024x128xf32, #tpu.memory_space<vmem>>, vector<1024x128xf32>,
    return
  }
  func.func @transform_0(%arg0: i32) -> (i32, i32, i32) {
    %c0_i32 = arith.constant 0 : i32
    %c0_i32_0 = arith.constant 0 : i32
    %c0_i32_1 = arith.constant 0 : i32
    return %c0_i32, %c0_i32_0, %arg0 : i32, i32, i32
  }
  func.func @transform_1(%arg0: i32) -> (i32, i32) {
    %c0_i32 = arith.constant 0 : i32
    %c0_i32_0 = arith.constant 0 : i32
    return %arg0, %c0_i32 : i32, i32
  }
}

module attributes {stable_mosaic.version = 14 : i64} {
  func.func @_tc_transpose_body(%arg0: i32, %arg1: memref<8192x128xf32, #tpu.memory_space<vmem>>, %arg2: memref<2x8x65536xf32, #tpu.memory_space<vmem>>) attributes {dimension_semantics = [#tpu.dimension_semantics<arbitrary>], iteration_bounds = array<i64: 32>, scalar_prefetch = 0 : i64, scratch_operands = 0 : i64, tpu.core_type = #tpu.core_type<tc>, window_params = [{transform_indices = @transform_0, window_bounds = array<i64: 8192, 128>}, {transform_indices = @transform_1, window_bounds = array<i64: 2, 8, 65536>}]} {
    %get3A = arith.constant 0 : index
    %get3A_0 = arith.constant 0 : index
    %get3A_1 = vector.load %arg1[%get3A, %get3A_0] : memref<8192x128xf32, #tpu.memory_space<vmem>>, vector<8192x128xf32>
    %transpose3A = tpu.transpose %get3A_1, [1, 0] : vector<8192x128xf32> -> vector<128x8192xf32>
    %slice3A = vector.extract_strided_slice %transpose3A {offsets = [0, 0], sizes = [16, 8192], strides = [1, 1]} : vector<128x8192xf32> to vector<16x8192xf32>
    %reshape3A = vector.shape_cast %slice3A : vector<16x8192xf32> to vector<2x8x8192xf32>
    %swap3A = arith.constant 0 : index
    %swap3A_2 = arith.constant 0 : index
    %swap3A_3 = arith.constant 0 : index
    %swap3A_4 = vector.load %arg2[%swap3A, %swap3A_2, %swap3A_3] : memref<2x8x65536xf32, #tpu.memory_space<vmem>>, vector<2x8x8192xf32>
    tpu.vector_store %arg2[%swap3A, %swap3A_2, %swap3A_3], %reshape3A {strides = array<i32>} : memref<2x8x65536xf32, #tpu.memory_space<vmem>>, vector<2x8x8192xf32>,
    %slice3A_5 = vector.extract_strided_slice %transpose3A {offsets = [16, 0], sizes = [16, 8192], strides = [1, 1]} : vector<128x8192xf32> to vector<16x8192xf32>
    %reshape3A_6 = vector.shape_cast %slice3A_5 : vector<16x8192xf32> to vector<2x8x8192xf32>
    %swap3A_7 = arith.constant 0 : index
    %swap3A_8 = arith.constant 0 : index
    %swap3A_9 = arith.constant 8192 : index
    %swap3A_10 = vector.load %arg2[%swap3A_7, %swap3A_8, %swap3A_9] : memref<2x8x65536xf32, #tpu.memory_space<vmem>>, vector<2x8x8192xf32>
    tpu.vector_store %arg2[%swap3A_7, %swap3A_8, %swap3A_9], %reshape3A_6 {strides = array<i32>} : memref<2x8x65536xf32, #tpu.memory_space<vmem>>, vector<2x8x8192xf32>,
    %slice3A_11 = vector.extract_strided_slice %transpose3A {offsets = [32, 0], sizes = [16, 8192], strides = [1, 1]} : vector<128x8192xf32> to vector<16x8192xf32>
    %reshape3A_12 = vector.shape_cast %slice3A_11 : vector<16x8192xf32> to vector<2x8x8192xf32>
    %swap3A_13 = arith.constant 0 : index
    %swap3A_14 = arith.constant 0 : index
    %swap3A_15 = arith.constant 16384 : index
    %swap3A_16 = vector.load %arg2[%swap3A_13, %swap3A_14, %swap3A_15] : memref<2x8x65536xf32, #tpu.memory_space<vmem>>, vector<2x8x8192xf32>
    tpu.vector_store %arg2[%swap3A_13, %swap3A_14, %swap3A_15], %reshape3A_12 {strides = array<i32>} : memref<2x8x65536xf32, #tpu.memory_space<vmem>>, vector<2x8x8192xf32>,
    %slice3A_17 = vector.extract_strided_slice %transpose3A {offsets = [48, 0], sizes = [16, 8192], strides = [1, 1]} : vector<128x8192xf32> to vector<16x8192xf32>
    %reshape3A_18 = vector.shape_cast %slice3A_17 : vector<16x8192xf32> to vector<2x8x8192xf32>
    %swap3A_19 = arith.constant 0 : index
    %swap3A_20 = arith.constant 0 : index
    %swap3A_21 = arith.constant 24576 : index
    %swap3A_22 = vector.load %arg2[%swap3A_19, %swap3A_20, %swap3A_21] : memref<2x8x65536xf32, #tpu.memory_space<vmem>>, vector<2x8x8192xf32>
    tpu.vector_store %arg2[%swap3A_19, %swap3A_20, %swap3A_21], %reshape3A_18 {strides = array<i32>} : memref<2x8x65536xf32, #tpu.memory_space<vmem>>, vector<2x8x8192xf32>,
    %slice3A_23 = vector.extract_strided_slice %transpose3A {offsets = [64, 0], sizes = [16, 8192], strides = [1, 1]} : vector<128x8192xf32> to vector<16x8192xf32>
    %reshape3A_24 = vector.shape_cast %slice3A_23 : vector<16x8192xf32> to vector<2x8x8192xf32>
    %swap3A_25 = arith.constant 0 : index
    %swap3A_26 = arith.constant 0 : index
    %swap3A_27 = arith.constant 32768 : index
    %swap3A_28 = vector.load %arg2[%swap3A_25, %swap3A_26, %swap3A_27] : memref<2x8x65536xf32, #tpu.memory_space<vmem>>, vector<2x8x8192xf32>
    tpu.vector_store %arg2[%swap3A_25, %swap3A_26, %swap3A_27], %reshape3A_24 {strides = array<i32>} : memref<2x8x65536xf32, #tpu.memory_space<vmem>>, vector<2x8x8192xf32>,
    %slice3A_29 = vector.extract_strided_slice %transpose3A {offsets = [80, 0], sizes = [16, 8192], strides = [1, 1]} : vector<128x8192xf32> to vector<16x8192xf32>
    %reshape3A_30 = vector.shape_cast %slice3A_29 : vector<16x8192xf32> to vector<2x8x8192xf32>
    %swap3A_31 = arith.constant 0 : index
    %swap3A_32 = arith.constant 0 : index
    %swap3A_33 = arith.constant 40960 : index
    %swap3A_34 = vector.load %arg2[%swap3A_31, %swap3A_32, %swap3A_33] : memref<2x8x65536xf32, #tpu.memory_space<vmem>>, vector<2x8x8192xf32>
    tpu.vector_store %arg2[%swap3A_31, %swap3A_32, %swap3A_33], %reshape3A_30 {strides = array<i32>} : memref<2x8x65536xf32, #tpu.memory_space<vmem>>, vector<2x8x8192xf32>,
    %slice3A_35 = vector.extract_strided_slice %transpose3A {offsets = [96, 0], sizes = [16, 8192], strides = [1, 1]} : vector<128x8192xf32> to vector<16x8192xf32>
    %reshape3A_36 = vector.shape_cast %slice3A_35 : vector<16x8192xf32> to vector<2x8x8192xf32>
    %swap3A_37 = arith.constant 0 : index
    %swap3A_38 = arith.constant 0 : index
    %swap3A_39 = arith.constant 49152 : index
    %swap3A_40 = vector.load %arg2[%swap3A_37, %swap3A_38, %swap3A_39] : memref<2x8x65536xf32, #tpu.memory_space<vmem>>, vector<2x8x8192xf32>
    tpu.vector_store %arg2[%swap3A_37, %swap3A_38, %swap3A_39], %reshape3A_36 {strides = array<i32>} : memref<2x8x65536xf32, #tpu.memory_space<vmem>>, vector<2x8x8192xf32>,
    %slice3A_41 = vector.extract_strided_slice %transpose3A {offsets = [112, 0], sizes = [16, 8192], strides = [1, 1]} : vector<128x8192xf32> to vector<16x8192xf32>
    %reshape3A_42 = vector.shape_cast %slice3A_41 : vector<16x8192xf32> to vector<2x8x8192xf32>
    %swap3A_43 = arith.constant 0 : index
    %swap3A_44 = arith.constant 0 : index
    %swap3A_45 = arith.constant 57344 : index
    %swap3A_46 = vector.load %arg2[%swap3A_43, %swap3A_44, %swap3A_45] : memref<2x8x65536xf32, #tpu.memory_space<vmem>>, vector<2x8x8192xf32>
    tpu.vector_store %arg2[%swap3A_43, %swap3A_44, %swap3A_45], %reshape3A_42 {strides = array<i32>} : memref<2x8x65536xf32, #tpu.memory_space<vmem>>, vector<2x8x8192xf32>,
    return
  }
  func.func @transform_0(%arg0: i32) -> (i32, i32) {
    %c0_i32 = arith.constant 0 : i32
    %c0_i32_0 = arith.constant 0 : i32
    return %arg0, %c0_i32 : i32, i32
  }
  func.func @transform_1(%arg0: i32) -> (i32, i32, i32) {
    %c0_i32 = arith.constant 0 : i32
    %c0_i32_0 = arith.constant 0 : i32
    %c0_i32_1 = arith.constant 0 : i32
    return %c0_i32, %c0_i32_0, %arg0 : i32, i32, i32
  }
}

</mosaic_0001>

<sc_bundles>
// kernel: kernel.5.cloned.1.call-start
scs
__scs_entry_jumppad:
0x0: {  	(pc) =	sbr.rel $0x88, $3  }
0x1: {  	(tag) =	ssettag $0x0;
	lr =	simm.s32 $0x1  }
0x2: {  	[smem:$0x3F9F] =	sst lr;
	_ =	strace $0xD0000000  }
0x3: {  	_ = 	snop  }
0x4: {  	_ = 	snop  }
0x5: {  	_ = 	snop  }
0x6: {  	_ = 	snop  }
0x7: {  	_ = 	snop  }
__scs_overlays_trampoline_lowered:
0x8: {  	[smem:$0x3FAE] =	sst s0  }
0x9: {  	[smem:$0x3FAF] =	sst s1  }
0xa: {  	[smem:$0x3FB0] =	sst s2  }
0xb: {  	[smem:$0x3FB1] =	sst s3  }
0xc: {  	[smem:$0x3FB2] =	sst s4  }
0xd: {  	[smem:$0x3FB3] =	sst s5  }
0xe: {  	[smem:$0x3FB4] =	sst s6  }
0xf: {  	[smem:$0x3FB5] =	sst s7  }
0x10: {  	[smem:$0x3FB6] =	sst s8  }
0x11: {  	[smem:$0x3FB7] =	sst s9;
	s0 =	simm.s32 @!p0 $0x0  }
0x12: {  	s1 =	sld [smem:$0x3F9D];
	s0 =	simm.s32 @p0 $0x1  }
0x13: {  	[smem:$0x3FB8] =	sst s0;
	s0 =	simm.s32 @!p1 $0x0  }
0x14: {  	s2 =	sld [smem:$0x3F9C];
	s0 =	simm.s32 @p1 $0x1  }
0x15: {  	[smem:$0x3FB9] =	sst s0;
	s0 =	simm.s32 @!p2 $0x0  }
0x16: {  	s3 =	sld [smem:$0x3FDB];
	s0 =	simm.s32 @p2 $0x1  }
0x17: {  	s4 =	simm.s32 $0x1BF5;
	[smem:$0x3FBB] =	sst s0  }
0x18: {  	s0 =	sld [smem:$0x3F9E];
	_ =	swait.ge [sflag:s4], $0x0  }
0x19: {  	s7 =	sld [smem:$0x3F9F]  }
0x1a: {  	s8 =	sadd.s32 $0xFFFFE003, lr  }
0x1b: {  	s9 =	sadd.s32 $0xFFFFFEF7, lr;
	s5 =	simm.s32 $0xFFFFFFFF;
	p2 =	slt.u32 s8, $0xFFFFF086  }
0x1c: {  	p1 =	slt.u32 s9, $0xF7A;
	s5 =	simm.s32 @!p2 $0x0  }
0x1d: {  	s5 =	simm.s32 @p1 $0x1;
	p0 =	seq.s32 s7, s2  }
0x1e: {  	s7 =	smul.u32 @!p0 $0xF7A, s2;
	p2 =	seq.s32 @!p0 s5, $0x0  }
0x1f: {  	s9 =	smul.u32 $0xF7A, s1;
	s8 =	simm.s32 @!p0 $0x1BF5;
	p2 =	por !p2, p0  }
0x20: {  	[sflag:s8] =	ssyncset.s32 @!p0 $0xFFFFF086;
	s6 =	sadd.s32 @!p0 s3, s7;
	s7 =	simm.s32 @!p0 $0x108  }
0x21: {  	s3 =	sadd.s32 s3, s9;
	s6 =	sadd.s32 @!p0 $0x88, s6;
	s7 =	simm.s32 @p2 $0x1082  }
0x22: {  	[simem:s7], [sflag:s8] =	dma.local @!p0 [hbm:s6], $0xF7A  }
0x23: {  	s9 =	sor.u32 $0xD0000000, s2;
	s6 =	simm.s32 $0x108;
	_ =	swait.ge @!p0 [sflag:s8], $0x0  }
0x24: {  	s3 =	sadd.s32 $0x88, s3;
	s6 =	simm.s32 @!p1 $0x1082;
	[sflag:s4] =	ssyncset.s32 $0xFFFFF086  }
0x25: {  	[simem:s6], [sflag:s4] =	dma.local [hbm:s3], $0xF7A  }
0x26: {  	[smem:$0x3F9F] =	sst s1;
	(tag) =	ssettag s2;
	_ =	strace s9  }
0x27: {  	s1 =	sld [smem:$0x3FAF]  }
0x28: {  	s2 =	sld [smem:$0x3FB0]  }
0x29: {  	s4 =	sld [smem:$0x3FB2]  }
0x2a: {  	p0 =	seq.s32 s5, $0x0;
	s5 =	sld [smem:$0x3FB3]  }
0x2b: {  	s6 =	sld [smem:$0x3FB4]  }
0x2c: {  	s7 =	sld [smem:$0x3FB5]  }
0x2d: {  	s3 =	simm.s32 $0x108;
	s8 =	sld [smem:$0x3FB6]  }
0x2e: {  	s3 =	simm.s32 @!p0 $0x1082;
	s9 =	sld [smem:$0x3FB7]  }
0x2f: {  	lr =	sadd.s32 s0, s3;
	s0 =	sld [smem:$0x3FAE]  }
0x30: {  	s3 =	sld [smem:$0x3FB1]  }
0x31: {  	[smem:$0x3FBA] =	sst s10  }
0x32: {  	s10 =	sld [smem:$0x3FB8];
	_ =	sdelay $0x3  }
0x33: {  	p0 =	seq.s32 s10, $0x1;
	s10 =	sld [smem:$0x3FBA];
	_ =	sdelay $0x3  }
0x34: {  	[smem:$0x3FBA] =	sst s10  }
0x35: {  	s10 =	sld [smem:$0x3FB9];
	_ =	sdelay $0x3  }
0x36: {  	p1 =	seq.s32 s10, $0x1;
	s10 =	sld [smem:$0x3FBA];
	_ =	sdelay $0x3  }
0x37: {  	[smem:$0x3FBA] =	sst s10  }
0x38: {  	s10 =	sld [smem:$0x3FBB]  }
0x39: {  	_ = 	snop;
	(pc) =	sbr.ind lr, $3  }
0x3a: {  	_ = 	snop  }
0x3b: {  	_ = 	snop  }
0x3c: {  	p2 =	seq.s32 s10, $0x1;
	s10 =	sld [smem:$0x3FBA]  }
0x3d: {  	_ =	shalt  }
0x3e: {  	_ =	shalt  }
0x3f: {  	_ =	shalt  }
0x40: {  	_ =	shalt  }
0x41: {  	_ =	shalt  }
0x42: {  	_ =	shalt  }
0x43: {  	_ =	shalt  }
0x44: {  	_ =	shalt  }
0x45: {  	_ =	shalt  }
0x46: {  	_ =	shalt  }
0x47: {  	_ =	shalt  }
0x48: {  	_ =	shalt  }
0x49: {  	_ =	shalt  }
0x4a: {  	_ =	shalt  }
0x4b: {  	_ =	shalt  }
0x4c: {  	_ =	shalt  }
0x4d: {  	_ =	shalt  }
0x4e: {  	_ =	shalt  }
0x4f: {  	_ =	shalt  }
0x50: {  	_ =	shalt  }
0x51: {  	_ =	shalt  }
0x52: {  	_ =	shalt  }
0x53: {  	_ =	shalt  }
0x54: {  	_ =	shalt  }
0x55: {  	_ =	shalt  }
0x56: {  	_ =	shalt  }
0x57: {  	_ =	shalt  }
0x58: {  	_ =	shalt  }
0x59: {  	_ =	shalt  }
0x5a: {  	_ =	shalt  }
0x5b: {  	_ =	shalt  }
0x5c: {  	_ =	shalt  }
0x5d: {  	_ =	shalt  }
0x5e: {  	_ =	shalt  }
0x5f: {  	_ =	shalt  }
0x60: {  	_ =	shalt  }
0x61: {  	_ =	shalt  }
0x62: {  	_ =	shalt  }
0x63: {  	_ =	shalt  }
0x64: {  	_ =	shalt  }
0x65: {  	_ =	shalt  }
0x66: {  	_ =	shalt  }
0x67: {  	_ =	shalt  }
0x68: {  	_ =	shalt  }
0x69: {  	_ =	shalt  }
0x6a: {  	_ =	shalt  }
0x6b: {  	_ =	shalt  }
0x6c: {  	_ =	shalt  }
0x6d: {  	_ =	shalt  }
0x6e: {  	_ =	shalt  }
0x6f: {  	_ =	shalt  }
0x70: {  	_ =	shalt  }
0x71: {  	_ =	shalt  }
0x72: {  	_ =	shalt  }
0x73: {  	_ =	shalt  }
0x74: {  	_ =	shalt  }
0x75: {  	_ =	shalt  }
0x76: {  	_ =	shalt  }
0x77: {  	_ =	shalt  }
0x78: {  	_ =	shalt  }
0x79: {  	_ =	shalt  }
0x7a: {  	_ =	shalt  }
0x7b: {  	_ =	shalt  }
0x7c: {  	_ =	shalt  }
0x7d: {  	_ =	shalt  }
0x7e: {  	_ =	shalt  }
0x7f: {  	_ =	shalt  }
0x80: {  	_ =	shalt  }
0x81: {  	_ =	shalt  }
0x82: {  	_ =	shalt  }
0x83: {  	_ =	shalt  }
0x84: {  	_ =	shalt  }
0x85: {  	_ =	shalt  }
0x86: {  	_ =	shalt  }
0x87: {  	_ =	shalt  }
.Lfunc_end0:
.L_simem_size_0:
called_computation_lowered:
.L_overlay_start_0:
0x88: {  	s2 =	sld [smem:$0x3FD9]  }
0x89: {  	s3 =	sld [smem:$0x3FFE];
	_ =	sdelay $0x1  }
0x8a: {  	s1 =	srdreg.scid  }
0x8b: {  	s0 =	sand.u32 $0x1, s1  }
0x8c: {  	s16 =	sshll.u32 s0, $0xA;
	s2 =	sadd.s32 s3, s2  }
0x8d: {  	s2 =	sadd.s32 s2, s16  }
0x8e: {  	[smem:$0x3FC6] =	sst s2  }
0x8f: {  	_ = 	snop  }
0x90: {  	(tm) =	ssettm $0x1  }
0x91: {  	s17 =	sld [smem:$0x3FFB];
	_ =	sdelay $0x3  }
0x92: {  	_ =	strace s17  }
0x93: {  	s2 =	sld [smem:$0x3FFC];
	_ =	sdelay $0x3  }
0x94: {  	_ =	strace s2  }
0x95: {  	s2 =	sld [smem:$0x3FFD];
	_ =	sdelay $0x3  }
0x96: {  	_ =	strace s2  }
0x97: {  	_ =	strace $0x8FFFFFFF  }
0x98: {  	s18 =	sld [smem:$0x3FDB];
	_ =	sdelay $0x1  }
0x99: {  	s19 =	simm.s32 $_scs_section_size  }
0x9a: {  	s4 =	simm.s32 $_size__tile_overlayer_lowered;
	s5 =	simm.s32 $_tile_overlayer_lowered  }
0x9b: {  	s22 =	simm.s32 $0x1BFF;
	s21 =	sshll.u32 s5, $0x1;
	s2 =	sadd.s32 s19, s18  }
0x9c: {  	s6 =	simm.s32 $0x0;
	s20 =	sshll.u32 s4, $0x1;
	s4 =	sadd.s32 s21, s2  }
0x9d: {  	[timem:s6], [sflag:s22] =	dma.local [hbm:s4], s20  }
0x9e: {  	_ =	swait.ge [sflag:s22], s20  }
0x9f: {  	s3 =	ssub.s32 $0x0, s20;
	[sflag:s22] =	ssyncset.done $0x0  }
0xa0: {  	[sflag:s22] =	ssyncadd.s32 s3;
	_ =	sdelay $0x1  }
0xa1: {  	s23 =	simm.s32 $0x1B8B  }
0xa2: {  	_ =	swait.ge [sflag:s23], $0x1  }
0xa3: {  	[sflag:s23] =	ssyncset.done $0x0  }
0xa4: {  	s25 =	simm.s32 $0x1B8E;
	s24 =	sld [smem:$0x3FFE];
	[sflag:s23] =	ssyncadd.s32 $0xFFFFFFFF  }
0xa5: {  	s26 =	simm.s32 $execute0_lowered;
	[smem:$0x3FD2] =	sst s25  }
0xa6: {  	s4 =	sshll.u32 s26, $0x1;
	_ =	strace $0x80000046;
	[dreg:$0x1] =	wrdreg $0xFFFFFFFF  }
0xa7: {  	s28 =	simm.s32 $_size_execute0_lowered;
	s2 =	sadd.s32 s2, s4;
	[dreg:$0x0] =	wrdreg $0x0  }
0xa8: {  	s4 =	sshll.u32 s28, $0x1;
	[dreg:$0x2] =	wrdreg s2  }
0xa9: {  	[dreg:$0x3] =	wrdreg s4  }
0xaa: {  	[dreg:$0x4] =	wrdreg $0xC0  }
0xab: {  	_ =	task [dreg:s6], $0x5FFFF  }
0xac: {  	[dreg:$0x1] =	wrdreg $0xFFFFFFFF  }
0xad: {  	[dreg:$0x0] =	wrdreg $0x60  }
0xae: {  	[dreg:$0x2] =	wrdreg s24  }
0xaf: {  	[dreg:$0x3] =	wrdreg $0x9  }
0xb0: {  	_ =	task.clear_ibuf [dreg:s6], $0x4FFFF;
	_ =	strace $0x90000046  }
0xb1: {  	s29 =	simm.s32 $0x9;
	_ =	strace $0x80000048  }
0xb2: {  	_ =	swait.ge [sflag:s29], $0x1  }
0xb3: {  	[sflag:s29] =	ssyncadd.s32 $0xFFFFFFFF  }
0xb4: {  	_ =	strace $0x90000048  }
0xb5: {  	_ =	sfence  }
0xb6: {  	s30 =	sld [smem:$0x0];
	_ =	sdelay $0x2  }
0xb7: {  	s31 =	sshll.u32 s1, $0xD;
	s1 =	sshrl.u32 s1, $0x2  }
0xb8: {  	s3 =	sand.u32 $0x4000, s31;
	s1 =	sadd.s32 s1, s30  }
0xb9: {  	s0 =	sor.u32 s3, s0;
	s1 =	sshll.u32 s1, $0x11  }
0xba: {  	s0 =	sor.u32 s1, s0  }
0xbb: {  	s0 =	sadd.s32 $0x8F2B, s0  }
0xbc: {  	[sflag:s0] =	ssyncadd.remote.s32 $0x1  }
0xbd: {  	_ =	sfence.sel $0xFFFF  }
0xbe: {  	[dreg:$0x0] =	wrdreg $0xFFFFFFFF;
	(pc) =	sbr.abs _section_cstart, $3  }
0xbf: {  	[dreg:$0x1] =	wrdreg $0xFFFFFFFF  }
0xc0: {  	_ =	task.clear_ibuf [dreg:s6], $0x2FFFF;
	_ =	strace $0x9FFFFFFF  }
0xc1: {  	(tm) =	ssettm $0x7FFFFFFF  }
tec
execute0_lowered:
.L_overlay_start_1:
0x0: {  	(tag) =	ssettag $0x1  }
0x1: {  	s4 =	rddreg [dreg:$0x0]  }
0x2: {  	s0 =	rddreg [dreg:$0x1];
	s1 =	simm.s32 $0x0  }
0x3: {  	s5 =	srdreg.scid;
	s2 =	stileid.u32;
	s15 =	simm.s32 $0x9000  }
0x4: {  	s16 =	simm.s32 $0x1;
	s17 =	simm.s32 $0x2;
	s18 =	simm.s32 $0x0  }
0x5: {  	[smem:$0x7FF] =	sst s1;
	s3 =	sadd.s32 $0x400, s4;
	s6 =	sshll.u32 s2, $0x11  }
0x6: {  	s9 =	sand.u32 $0x1, s5;
	s11 =	sadd.s32 $0x200400, s4;
	s12 =	sadd.s32 $0x240400, s4  }
0x7: {  	s14 =	sshll.u32 s2, $0x12;
	s5 =	ssub.s32 $0x2, s9;
	s7 =	sshll.u32 s9, $0x10  }
0x8: {  	_ =	strace $0x80000047;
	s8 =	sshrl.u32 s5, $0x1;
	s10 =	sor.u32 s7, s6  }
0x9: {  	s9 =	sshll.u32 s9, $0x11;
	s5 =	ssub.s32 s5, s8;
	s25 =	sshrl.u32 s10, $0x3  }
0xa: {  	s6 =	sshll.u32 s10, $0x1;
	s7 =	sor.u32 $0xF800, s10;
	s29 =	sor.u32 $0x800, s10  }
0xb: {  	s10 =	sor.u32 $0x1000, s10;
	s4 =	sadd.s32 s11, s25;
	s26 =	sadd.s32 s12, s6  }
0xc: {  	s5 =	smax.u32 s5, $0x1;
	s28 =	sshrl.u32 s7, $0x3;
	s13 =	sshll.u32 s7, $0x1  }
0xd: {  	s30 =	sshrl.u32 s29, $0x3;
	s31 =	sshrl.u32 s10, $0x3;
	s6 =	sadd.s32 s11, s28  }
0xe: {  	s7 =	sadd.s32 $0x1E000, s26;
	s8 =	sadd.s32 s12, s13;
	s12 =	sadd.s32 s14, s12  }
0xf: {  	s10 =	sadd.s32 s30, s11;
	s11 =	sadd.s32 s31, s11;
	s13 =	simm.s32 $0x800  }
0x10: {  	s14 =	simm.s32 $0x1000;
	s9 =	sadd.s32 s9, s12;
	s12 =	simm.s32 $0x3  }
.LBB2_1:
0x11: {  	[tilespmem:s1], [sflag:$0x3] =	stream.linear.gather [hbm4b:s4+s1], $0x800, $0x38;
	[tilespmem:$0x11000] =	vst v63  }
0x12: {  	_ =	swait.ge [sflag:s12], $0x800  }
0x13: {  	[sflag:s12] =	ssyncset.done $0x0  }
0x14: {  	[sflag:s12] =	ssyncadd.s32 $0xFFFFF800  }
0x15: {  	[tilespmem:s14], [sflag:$0x1] =	stream.indirect.gather [hbm4b:s3+s13], $0x10, s1, s13, $0xb8;
	[tilespmem:$0x11000] =	vst v63  }
0x16: {  	s19 =	sadd.s32 $0x0, s10  }
0x17: {  	[tilespmem:s13], [sflag:$0x3] =	stream.linear.gather [hbm4b:s19+s1], $0x800, $0x38;
	[tilespmem:$0x11000] =	vst v63  }
0x18: {  	_ =	swait.ge [sflag:s12], $0x800  }
0x19: {  	[sflag:s12] =	ssyncset.done $0x0  }
0x1a: {  	[sflag:s12] =	ssyncadd.s32 $0xFFFFF800  }
0x1b: {  	[tilespmem:s15], [sflag:$0x2] =	stream.indirect.gather [hbm4b:s3+s13], $0x10, s13, s13, $0xb8;
	[tilespmem:$0x11000] =	vst v63  }
0x1c: {  	_ =	swait.ge [sflag:s16], $0x8000  }
0x1d: {  	[sflag:s16] =	ssyncset.done $0x0  }
0x1e: {  	[sflag:s16] =	ssyncadd.s32 $0xFFFF8000  }
0x1f: {  	[hbm4b:s9+s1] =	stream.linear.scatter [tilespmem:s14], [sflag:$0x3], $0x8000, $0x38;
	[tilespmem:$0x11000] =	vst v63  }
0x20: {  	_ =	swait.ge [sflag:s12], $0x8000  }
0x21: {  	[sflag:s12] =	ssyncset.done $0x0  }
0x22: {  	s30 =	sadd.s32 $0x0, s11;
	[sflag:s12] =	ssyncadd.s32 $0xFFFF8000  }
0x23: {  	[tilespmem:s1], [sflag:$0x3] =	stream.linear.gather [hbm4b:s30+s1], $0x800, $0x38;
	[tilespmem:$0x11000] =	vst v63  }
0x24: {  	_ =	swait.ge [sflag:s12], $0x800  }
0x25: {  	[sflag:s12] =	ssyncset.done $0x0  }
0x26: {  	[sflag:s12] =	ssyncadd.s32 $0xFFFFF800  }
0x27: {  	[tilespmem:s14], [sflag:$0x1] =	stream.indirect.gather [hbm4b:s3+s13], $0x10, s1, s13, $0xb8;
	[tilespmem:$0x11000] =	vst v63  }
0x28: {  	_ =	swait.ge [sflag:s17], $0x8000  }
0x29: {  	[sflag:s17] =	ssyncset.done $0x0  }
0x2a: {  	s31 =	sadd.s32 $0x1000, s9;
	[sflag:s17] =	ssyncadd.s32 $0xFFFF8000  }
0x2b: {  	[hbm4b:s31+s1] =	stream.linear.scatter [tilespmem:s15], [sflag:$0x3], $0x8000, $0x38;
	[tilespmem:$0x11000] =	vst v63  }
0x2c: {  	s20 =	simm.s32 $0x200;
	_ =	swait.ge [sflag:s12], $0x8000  }
0x2d: {  	s21 =	simm.s32 $0x400;
	s19 =	sadd.s32 $0x2000, s9;
	[sflag:s12] =	ssyncset.done $0x0  }
.LBB2_2:
0x2e: {  	s22 =	sadd.s32 s20, s10  }
0x2f: {  	[sflag:s12] =	ssyncadd.s32 $0xFFFF8000;
	s23 =	smov.u32 s21;
	s24 =	sadd.s32 $0x200, s21  }
0x30: {  	[tilespmem:s13], [sflag:$0x3] =	stream.linear.gather [hbm4b:s22+s1], $0x800, $0x38;
	[tilespmem:$0x11000] =	vst v63  }
0x31: {  	p0 =	sne.s32 s21, $0x1C00;
	_ =	swait.ge [sflag:s12], $0x800  }
0x32: {  	[sflag:s12] =	ssyncset.done $0x0  }
0x33: {  	[sflag:s12] =	ssyncadd.s32 $0xFFFFF800  }
0x34: {  	[tilespmem:s15], [sflag:$0x2] =	stream.indirect.gather [hbm4b:s3+s13], $0x10, s13, s13, $0xb8;
	[tilespmem:$0x11000] =	vst v63  }
0x35: {  	_ =	swait.ge [sflag:s16], $0x8000  }
0x36: {  	[sflag:s16] =	ssyncset.done $0x0  }
0x37: {  	[sflag:s16] =	ssyncadd.s32 $0xFFFF8000  }
0x38: {  	[hbm4b:s19+s1] =	stream.linear.scatter [tilespmem:s14], [sflag:$0x3], $0x8000, $0x38;
	[tilespmem:$0x11000] =	vst v63  }
0x39: {  	_ =	swait.ge [sflag:s12], $0x8000  }
0x3a: {  	[sflag:s12] =	ssyncset.done $0x0  }
0x3b: {  	s21 =	sadd.s32 s20, s11;
	s20 =	smov.u32 s23;
	[sflag:s12] =	ssyncadd.s32 $0xFFFF8000  }
0x3c: {  	[tilespmem:s1], [sflag:$0x3] =	stream.linear.gather [hbm4b:s21+s1], $0x800, $0x38;
	[tilespmem:$0x11000] =	vst v63  }
0x3d: {  	_ =	swait.ge [sflag:s12], $0x800  }
0x3e: {  	[sflag:s12] =	ssyncset.done $0x0  }
0x3f: {  	[sflag:s12] =	ssyncadd.s32 $0xFFFFF800  }
0x40: {  	[tilespmem:s14], [sflag:$0x1] =	stream.indirect.gather [hbm4b:s3+s13], $0x10, s1, s13, $0xb8;
	[tilespmem:$0x11000] =	vst v63  }
0x41: {  	_ =	swait.ge [sflag:s17], $0x8000  }
.Ltmp0:
0x42: {  	[sflag:s17] =	ssyncset.done $0x0;
	(pc) =	sbr.rel @p0 .LBB2_2-.Ltmp0, $4  }
0x43: {  	s21 =	sadd.s32 $0x1000, s19;
	[sflag:s17] =	ssyncadd.s32 $0xFFFF8000  }
0x44: {  	[hbm4b:s21+s1] =	stream.linear.scatter [tilespmem:s15], [sflag:$0x3], $0x8000, $0x38;
	[tilespmem:$0x11000] =	vst v63  }
0x45: {  	_ =	swait.ge [sflag:s12], $0x8000  }
0x46: {  	s19 =	sadd.s32 $0x2000, s19;
	s21 =	smov.u32 s24;
	[sflag:s12] =	ssyncset.done $0x0  }
0x47: {  	s21 =	sadd.s32 s20, s10;
	[sflag:s12] =	ssyncadd.s32 $0xFFFF8000  }
0x48: {  	[tilespmem:s13], [sflag:$0x3] =	stream.linear.gather [hbm4b:s21+s1], $0x800, $0x38;
	[tilespmem:$0x11000] =	vst v63  }
0x49: {  	_ =	swait.ge [sflag:s12], $0x800  }
0x4a: {  	[sflag:s12] =	ssyncset.done $0x0  }
0x4b: {  	[sflag:s12] =	ssyncadd.s32 $0xFFFFF800  }
0x4c: {  	[tilespmem:s15], [sflag:$0x2] =	stream.indirect.gather [hbm4b:s3+s13], $0x10, s13, s13, $0xb8;
	[tilespmem:$0x11000] =	vst v63  }
0x4d: {  	_ =	swait.ge [sflag:s16], $0x8000  }
0x4e: {  	[sflag:s16] =	ssyncset.done $0x0  }
0x4f: {  	[sflag:s16] =	ssyncadd.s32 $0xFFFF8000  }
0x50: {  	[hbm4b:s19+s1] =	stream.linear.scatter [tilespmem:s14], [sflag:$0x3], $0x8000, $0x38;
	[tilespmem:$0x11000] =	vst v63  }
0x51: {  	_ =	swait.ge [sflag:s12], $0x8000  }
0x52: {  	[sflag:s12] =	ssyncset.done $0x0  }
0x53: {  	s30 =	sadd.s32 s20, s11;
	[sflag:s12] =	ssyncadd.s32 $0xFFFF8000  }
0x54: {  	[tilespmem:s1], [sflag:$0x3] =	stream.linear.gather [hbm4b:s30+s1], $0x800, $0x38;
	[tilespmem:$0x11000] =	vst v63  }
0x55: {  	_ =	swait.ge [sflag:s12], $0x800  }
0x56: {  	[sflag:s12] =	ssyncset.done $0x0  }
0x57: {  	[sflag:s12] =	ssyncadd.s32 $0xFFFFF800  }
0x58: {  	[tilespmem:s14], [sflag:$0x1] =	stream.indirect.gather [hbm4b:s3+s13], $0x10, s1, s13, $0xb8;
	[tilespmem:$0x11000] =	vst v63  }
0x59: {  	_ =	swait.ge [sflag:s17], $0x8000  }
0x5a: {  	[sflag:s17] =	ssyncset.done $0x0  }
0x5b: {  	s31 =	sadd.s32 $0x1000, s19;
	[sflag:s17] =	ssyncadd.s32 $0xFFFF8000  }
0x5c: {  	[hbm4b:s31+s1] =	stream.linear.scatter [tilespmem:s15], [sflag:$0x3], $0x8000, $0x38;
	[tilespmem:$0x11000] =	vst v63  }
0x5d: {  	_ =	swait.ge [sflag:s12], $0x8000  }
0x5e: {  	[sflag:s12] =	ssyncset.done $0x0  }
0x5f: {  	[sflag:s12] =	ssyncadd.s32 $0xFFFF8000  }
0x60: {  	[tilespmem:s13], [sflag:$0x3] =	stream.linear.gather [hbm4b:s6+s1], $0x800, $0x38;
	[tilespmem:$0x11000] =	vst v63  }
0x61: {  	_ =	swait.ge [sflag:s12], $0x800  }
0x62: {  	[sflag:s12] =	ssyncset.done $0x0  }
0x63: {  	[sflag:s12] =	ssyncadd.s32 $0xFFFFF800  }
0x64: {  	[tilespmem:s15], [sflag:$0x2] =	stream.indirect.gather [hbm4b:s3+s13], $0x10, s13, s13, $0xb8;
	[tilespmem:$0x11000] =	vst v63  }
0x65: {  	_ =	swait.ge [sflag:s16], $0x8000  }
0x66: {  	[sflag:s16] =	ssyncset.done $0x0  }
0x67: {  	[sflag:s16] =	ssyncadd.s32 $0xFFFF8000  }
0x68: {  	[hbm4b:s7+s1] =	stream.linear.scatter [tilespmem:s14], [sflag:$0x3], $0x8000, $0x38;
	[tilespmem:$0x11000] =	vst v63  }
0x69: {  	_ =	swait.ge [sflag:s12], $0x8000  }
0x6a: {  	[sflag:s12] =	ssyncset.done $0x0  }
0x6b: {  	[sflag:s12] =	ssyncadd.s32 $0xFFFF8000  }
0x6c: {  	s18 =	sadd.s32 $0x1, s18;
	_ =	swait.ge [sflag:s17], $0x8000  }
0x6d: {  	p0 =	sne.s32 s18, s5;
	[sflag:s17] =	ssyncset.done $0x0  }
.Ltmp1:
0x6e: {  	[sflag:s17] =	ssyncadd.s32 $0xFFFF8000;
	(pc) =	sbr.rel @p0 .LBB2_1-.Ltmp1, $4  }
0x6f: {  	[hbm4b:s8+s1] =	stream.linear.scatter [tilespmem:s15], [sflag:$0x3], $0x8000, $0x38;
	[tilespmem:$0x11000] =	vst v63  }
0x70: {  	_ =	swait.ge [sflag:s12], $0x8000  }
0x71: {  	[sflag:s12] =	ssyncset.done $0x0  }
0x72: {  	[sflag:s12] =	ssyncadd.s32 $0xFFFF8000  }
0x73: {  	_ =	sfence.sel $0x180000  }
0x74: {  	[bflag:$0x0] =	sbarrier.arrive $0xFFFF  }
0x75: {  	p0 =	sne.s32 s2, $0x0;
	_ =	strace $0x90000047  }
0x76: {  	s0 =	sadd.s32 @!p0 $0x100000, s0;
	[bflag:$0x2] =	sbarrier.arrive $0xFFFF  }
0x77: {  	[sflag:s0] =	ssyncadd.tile.s32 @!p0 $0x1;
	_ =	shalt  }
.Lfunc_end2:
_tile_overlayer_lowered:
.L_overlay_start_2:
0x78: {  	(tag) =	ssettag $0x2  }
0x79: {  	s0 =	rddreg [dreg:$0x0];
	s2 =	stileid.u32  }
0x7a: {  	s1 =	rddreg [dreg:$0x1];
	p0 =	sne.s32 s2, $0x0  }
0x7b: {  	s3 =	rddreg [dreg:$0x2];
	[bflag:$0x3] =	sbarrier.arrive $0xFFFF;
	s2 =	simm.s32 @!p0 $0x1C03  }
0x7c: {  	[timem:s3], [sflag:s2] =	dma.local @!p0 [hbm:s0], s1  }
0x7d: {  	s0 =	simm.s32 @!p0 $0x3  }
0x7e: {  	_ =	swait.ge @!p0 [sflag:s0], s1  }
0x7f: {  	s1 =	ssub.s32 @!p0 $0x0, s1;
	[sflag:s0] =	ssyncset.done @!p0 $0x0  }
0x80: {  	[sflag:s0] =	ssyncadd.s32 @!p0 s1  }
0x81: {  	[bflag:$0x3] =	sbarrier.arrive $0xFFFF  }
0x82: {  	_ =	shalt  }

</sc_bundles>
